<compile_context>
chip_gen: v7x
topology: tpu7x:2x2x1
jax: 0.10.2.dev20260603
libtpu: 0.0.44.dev20260713+nightly
codegen_flags: <defaults>
</compile_context>

<pallas_src>
import functools

import jax
import jax.numpy as jnp
from jax import lax
from jax.experimental import pallas as pl
from jax.experimental.pallas import tpu as pltpu
from jax.experimental.pallas import tpu_sc as plsc

_SPLITS = 4
_SYMBOLS = 1024
_SUBDIM = 64

_NUM_CORES = 2
_NUM_SUBCORES = 16
_NW = _NUM_CORES * _NUM_SUBCORES

_CHUNK = 128


def _pq_tc_body(x_ref, w2_ref, cbsq_ref, idx_ref, err_ref, *, n_tokens):
    i = pl.program_id(0)
    err_local = jnp.float32(0.0)
    cols = []
    for s in range(_SPLITS):
        xi = x_ref[:, s * _SUBDIM:(s + 1) * _SUBDIM]
        w2 = w2_ref[s]
        cbsq = cbsq_ref[s]
        xsq = jnp.sum(xi * xi, axis=1, keepdims=True)
        prod2 = jax.lax.dot_general(
            xi, w2, (((1,), (1,)), ((), ())),
            preferred_element_type=jnp.float32)
        sc = (xsq + cbsq) - prod2
        m = jnp.min(sc, axis=1, keepdims=True)
        iota = jax.lax.broadcasted_iota(jnp.int32, sc.shape, 1
                                        ).astype(jnp.float32)
        idxf = jnp.min(jnp.where(sc == m, iota, jnp.float32(_SYMBOLS)),
                       axis=1, keepdims=True)
        cols.append(idxf.astype(jnp.int32) + (s * _SYMBOLS))
        err_local = err_local + jnp.sum(m)

    idx_ref[...] = jnp.concatenate(cols, axis=1)

    scale = jnp.float32(1.25 / (n_tokens * _SUBDIM))
    contrib = jnp.full((1, 1), err_local * scale, dtype=jnp.float32)

    @pl.when(i == 0)
    def _():
        err_ref[...] = contrib

    @pl.when(i > 0)
    def _():
        err_ref[...] = err_ref[...] + contrib


def _sc_gather_body(table_hbm, idx_hbm, out_hbm, idx_v, rows_v, sem):
    wid = lax.axis_index("s") * _NUM_CORES + lax.axis_index("c")
    bpw = idx_v.shape[0]
    base = wid * bpw
    pltpu.sync_copy(idx_hbm.at[pl.ds(base, bpw)], idx_v)
    pltpu.async_copy(table_hbm.at[idx_v], rows_v, sem).wait()
    pltpu.sync_copy(rows_v, out_hbm.at[pl.ds(base, bpw)])


@jax.jit
def kernel(x, W):
    B, T, F = x.shape
    n_tokens = B * T
    block_tokens = 2304
    n_halves = 1
    half_tokens = n_tokens // n_halves
    n_blocks = half_tokens // block_tokens
    x2 = x.reshape(n_tokens, F)

    W2 = W + W
    cbsq = jnp.sum(W * W, axis=-1)[:, None, :]
    Wf = W.reshape(_SPLITS * _SYMBOLS, _SUBDIM)

    tc = pl.pallas_call(
        functools.partial(_pq_tc_body, n_tokens=n_tokens),
        grid=(n_blocks,),
        in_specs=[
            pl.BlockSpec((block_tokens, F), lambda i: (i, 0)),
            pl.BlockSpec((_SPLITS, _SYMBOLS, _SUBDIM), lambda i: (0, 0, 0)),
            pl.BlockSpec((_SPLITS, 1, _SYMBOLS), lambda i: (0, 0, 0)),
        ],
        out_specs=[
            pl.BlockSpec((block_tokens, _SPLITS), lambda i: (i, 0)),
            pl.BlockSpec((1, 1), lambda i: (0, 0)),
        ],
        out_shape=[
            jax.ShapeDtypeStruct((half_tokens, _SPLITS), jnp.int32),
            jax.ShapeDtypeStruct((1, 1), jnp.float32),
        ],
    )

    n_rows = half_tokens * _SPLITS
    bpw = n_rows // _NW

    gather = functools.partial(
        pl.kernel,
        out_type=jax.ShapeDtypeStruct((n_rows, _SUBDIM), jnp.float32),
        mesh=plsc.VectorSubcoreMesh(core_axis_name="c", subcore_axis_name="s"),
        scratch_types=[
            pltpu.VMEM((bpw,), jnp.int32),
            pltpu.VMEM((bpw, _SUBDIM), jnp.float32),
            pltpu.SemaphoreType.DMA,
        ],
        compiler_params=pltpu.CompilerParams(use_tc_tiling_on_sc=False),
    )(_sc_gather_body)

    idxs = []
    errs = []
    for h in range(n_halves):
        idx_h, err_h = tc(x2[h * half_tokens:(h + 1) * half_tokens],
                          W2, cbsq)
        idxs.append(idx_h)
        errs.append(err_h)

    rows = [gather(Wf, idx_h.reshape(n_rows)) for idx_h in idxs]

    quant = jnp.concatenate(
        [r.reshape(B // n_halves, T, F) for r in rows], axis=0)
    err = errs[0][0, 0]
    for e in errs[1:]:
        err = err + e[0, 0]
    return quant, err

# --- scband reference (transcript-rebuilt; emitter-appended) ---
"""Pipeline reference for scband-product-quantizer-26087631356135 (READ-ONLY COPY).

The authoritative reference and input builder live on the scoring server;
editing this copy changes nothing except your own understanding.
"""

import jax, jax.numpy as jnp
import numpy as np


def setup_inputs(seed: int = 0) -> dict:
    key = jax.random.key(seed)
    k1, k2 = jax.random.split(key)
    x = jax.random.normal(k1, (16, 576, 256), dtype=jnp.float32)
    # ProductQuantizer: splits=4 codebooks, each Embedding(symbols=1024, features//splits=64)
    # initialized uniform_(-1/symbols, 1/symbols)
    W = jax.random.uniform(k2, (4, 1024, 64), dtype=jnp.float32, minval=-1.0 / 1024.0, maxval=1.0 / 1024.0)
    return {"x": x, "W": W}


def reference(x, W):
    splits = W.shape[0]
    xs = jnp.split(x, splits, axis=-1)
    outs = []
    errs = []
    for i in range(splits):
        cb = W[i]  # [symbols, sub_dim]
        xi = xs[i]  # [B, T, sub_dim]
        # squared distances: ||x||^2 + ||y||^2 - 2 x @ y  (y = cb.T)
        d = (jnp.sum(xi ** 2, axis=-1, keepdims=True)
             + jnp.sum(cb ** 2, axis=-1)[None, None, :]
             - 2.0 * jnp.matmul(xi, cb.T))
        idx = jnp.argmin(d, axis=-1)  # [B, T]
        sym = jnp.take(cb, idx, axis=0)  # [B, T, sub_dim] (embedding lookup)
        dev = (jnp.mean((sym - jax.lax.stop_gradient(xi)) ** 2)
               + 0.25 * jnp.mean((xi - jax.lax.stop_gradient(sym)) ** 2))
        outs.append(xi + jax.lax.stop_gradient(sym - xi))
        errs.append(dev)
    quantized = jnp.concatenate(outs, axis=-1)
    total_err = errs[0]
    for e in errs[1:]:
        total_err = total_err + e
    return (quantized, total_err)

if __name__ == "__main__":
    import jax
    _d = setup_inputs()
    print(jax.jit(kernel)(*tuple(_d.values())))

</pallas_src>

<mosaic_0001>
#map = affine_map<(d0, d1) -> (0, 0)>
#map1 = affine_map<(d0, d1) -> (0)>
module attributes {stable_mosaic.version = 14 : i64} {
  func.func @_sc_gather_body(%arg0: i32, %arg1: i32, %arg2: memref<4096x64xf32, #tpu.memory_space<hbm>>, %arg3: memref<36864xi32, #tpu.memory_space<hbm>>, %arg4: memref<36864x64xf32, #tpu.memory_space<hbm>>, %arg5: memref<1152xi32, #tpu.memory_space<vmem>>, %arg6: memref<1152x64xf32, #tpu.memory_space<vmem>>, %arg7: memref<!tpu.dma_semaphore, #tpu.memory_space<semaphore_mem>>) attributes {dimension_semantics = [#tpu.dimension_semantics<core_parallel>, #tpu.dimension_semantics<subcore_parallel>], iteration_bounds = array<i64: 2, 16>, scalar_prefetch = 0 : i64, scratch_operands = 3 : i64, tpu.core_type = #tpu.core_type<sc_vector_subcore>, window_params = [{transform_indices = #map}, {transform_indices = #map1}, {transform_indices = #map}]} {
    %mul3A = arith.constant 2 : i32
    %mul3A_0 = arith.muli %arg1, %mul3A : i32
    %add3A = arith.addi %mul3A_0, %arg0 : i32
    %mul3A_1 = arith.constant 1152 : i32
    %mul3A_2 = arith.muli %add3A, %mul3A_1 : i32
    "tpu.region"() ({
      %run_scoped3A = tpu.sem_alloc : memref<!tpu.dma_semaphore, #tpu.memory_space<semaphore_mem>>
      %dma_start3A_7 = tpu.memref_slice %arg3[%mul3A_2] : memref<36864xi32, #tpu.memory_space<hbm>> -> memref<1152xi32, #tpu.memory_space<hbm>>
      %dma_start3A_8 = tpu.memref_slice %arg3[%mul3A_2] : memref<36864xi32, #tpu.memory_space<hbm>> -> memref<1152xi32, #tpu.memory_space<hbm>>
      tpu.enqueue_dma source(%dma_start3A_8 : memref<1152xi32, #tpu.memory_space<hbm>>) target(%arg5 : memref<1152xi32, #tpu.memory_space<vmem>>) target_semaphore(%run_scoped3A : memref<!tpu.dma_semaphore, #tpu.memory_space<semaphore_mem>>)
      %dma_wait3A_9 = tpu.memref_slice %arg3[%mul3A_2] : memref<36864xi32, #tpu.memory_space<hbm>> -> memref<1152xi32, #tpu.memory_space<hbm>>
      %dma_wait3A_10 = tpu.memref_slice %arg3[%mul3A_2] : memref<36864xi32, #tpu.memory_space<hbm>> -> memref<1152xi32, #tpu.memory_space<hbm>>
      tpu.wait_dma2 semaphore(%run_scoped3A : memref<!tpu.dma_semaphore, #tpu.memory_space<semaphore_mem>>) src(%dma_wait3A_10 : memref<1152xi32, #tpu.memory_space<hbm>>) dst(%arg5 : memref<1152xi32, #tpu.memory_space<vmem>>)
      tpu.yield
    }) : () -> ()
    %dma_start3A = arith.constant 0 : i32
    %dma_start3A_3 = arith.constant 0 : i32
    %dma_start3A_4 = tpu.memref_slice %arg2[%dma_start3A, %dma_start3A_3] : memref<4096x64xf32, #tpu.memory_space<hbm>> -> memref<4096x64xf32, #tpu.memory_space<hbm>>
    tpu.enqueue_indirect_dma source(%dma_start3A_4 : memref<4096x64xf32, #tpu.memory_space<hbm>>) target(%arg6 : memref<1152x64xf32, #tpu.memory_space<vmem>>) offsets(%arg5 : memref<1152xi32, #tpu.memory_space<vmem>>) semaphore(%arg7 : memref<!tpu.dma_semaphore, #tpu.memory_space<semaphore_mem>>)
    %dma_wait3A = arith.constant 0 : i32
    %dma_wait3A_5 = arith.constant 0 : i32
    %dma_wait3A_6 = tpu.memref_slice %arg2[%dma_wait3A, %dma_wait3A_5] : memref<4096x64xf32, #tpu.memory_space<hbm>> -> memref<4096x64xf32, #tpu.memory_space<hbm>>
    tpu.wait_indirect_dma semaphore(%arg7 : memref<!tpu.dma_semaphore, #tpu.memory_space<semaphore_mem>>) src(%dma_wait3A_6 : memref<4096x64xf32, #tpu.memory_space<hbm>>) dst(%arg6 : memref<1152x64xf32, #tpu.memory_space<vmem>>)
    "tpu.region"() ({
      %run_scoped3A = tpu.sem_alloc : memref<!tpu.dma_semaphore, #tpu.memory_space<semaphore_mem>>
      %dma_start3A_7 = arith.constant 0 : i32
      %dma_start3A_8 = tpu.memref_slice %arg4[%mul3A_2, %dma_start3A_7] : memref<36864x64xf32, #tpu.memory_space<hbm>> -> memref<1152x64xf32, #tpu.memory_space<hbm>>
      %dma_start3A_9 = arith.constant 0 : i32
      %dma_start3A_10 = tpu.memref_slice %arg4[%mul3A_2, %dma_start3A_9] : memref<36864x64xf32, #tpu.memory_space<hbm>> -> memref<1152x64xf32, #tpu.memory_space<hbm>>
      tpu.enqueue_dma source(%arg6 : memref<1152x64xf32, #tpu.memory_space<vmem>>) target(%dma_start3A_10 : memref<1152x64xf32, #tpu.memory_space<hbm>>) target_semaphore(%run_scoped3A : memref<!tpu.dma_semaphore, #tpu.memory_space<semaphore_mem>>)
      %dma_wait3A_11 = arith.constant 0 : i32
      %dma_wait3A_12 = tpu.memref_slice %arg4[%mul3A_2, %dma_wait3A_11] : memref<36864x64xf32, #tpu.memory_space<hbm>> -> memref<1152x64xf32, #tpu.memory_space<hbm>>
      %dma_wait3A_13 = arith.constant 0 : i32
      %dma_wait3A_14 = tpu.memref_slice %arg4[%mul3A_2, %dma_wait3A_13] : memref<36864x64xf32, #tpu.memory_space<hbm>> -> memref<1152x64xf32, #tpu.memory_space<hbm>>
      tpu.wait_dma2 semaphore(%run_scoped3A : memref<!tpu.dma_semaphore, #tpu.memory_space<semaphore_mem>>) src(%arg6 : memref<1152x64xf32, #tpu.memory_space<vmem>>) dst(%dma_wait3A_14 : memref<1152x64xf32, #tpu.memory_space<hbm>>)
      tpu.yield
    }) : () -> ()
    return
  }
}

module attributes {stable_mosaic.version = 14 : i64} {
  func.func @_pq_tc_body(%arg0: i32, %arg1: memref<2304x256xf32, #tpu.memory_space<vmem>>, %arg2: memref<4x1024x64xf32, #tpu.memory_space<vmem>>, %arg3: memref<4x1x1024xf32, #tpu.memory_space<vmem>>, %arg4: memref<2304x4xi32, #tpu.memory_space<vmem>>, %arg5: memref<1x1xf32, #tpu.memory_space<vmem>>) attributes {dimension_semantics = [#tpu.dimension_semantics<arbitrary>], iteration_bounds = array<i64: 4>, scalar_prefetch = 0 : i64, scratch_operands = 0 : i64, tpu.core_type = #tpu.core_type<tc>, window_params = [{transform_indices = @transform_0, window_bounds = array<i64: 2304, 256>}, {pipeline_mode = #tpu.pipeline_mode<synchronous>, transform_indices = @transform_1, window_bounds = array<i64: 4, 1024, 64>}, {pipeline_mode = #tpu.pipeline_mode<synchronous>, transform_indices = @transform_2, window_bounds = array<i64: 4, 1, 1024>}, {transform_indices = @transform_3, window_bounds = array<i64: 2304, 4>}, {pipeline_mode = #tpu.pipeline_mode<synchronous>, transform_indices = @transform_4, window_bounds = array<i64: 1, 1>}]} {
    %get3A = arith.constant 0 : index
    %get3A_0 = arith.constant 0 : index
    %get3A_1 = vector.load %arg1[%get3A, %get3A_0] : memref<2304x256xf32, #tpu.memory_space<vmem>>, vector<2304x64xf32>
    %get3A_2 = arith.constant 0 : index
    %get3A_3 = arith.constant 0 : index
    %get3A_4 = arith.constant 0 : index
    %get3A_5 = vector.load %arg2[%get3A_2, %get3A_3, %get3A_4] : memref<4x1024x64xf32, #tpu.memory_space<vmem>>, vector<1x1024x64xf32>
    %get3A_6 = vector.shape_cast %get3A_5 : vector<1x1024x64xf32> to vector<1024x64xf32>
    %get3A_7 = arith.constant 0 : index
    %get3A_8 = arith.constant 0 : index
    %get3A_9 = arith.constant 0 : index
    %get3A_10 = vector.load %arg3[%get3A_7, %get3A_8, %get3A_9] : memref<4x1x1024xf32, #tpu.memory_space<vmem>>, vector<1x1x1024xf32>
    %get3A_11 = vector.shape_cast %get3A_10 : vector<1x1x1024xf32> to vector<1x1024xf32>
    %mul3A = arith.mulf %get3A_1, %get3A_1 : vector<2304x64xf32>
    %reduce_sum3A = arith.constant dense<0.000000e+00> : vector<2304xf32>
    %reduce_sum3A_12 = vector.multi_reduction <add>, %mul3A, %reduce_sum3A [1] : vector<2304x64xf32> to vector<2304xf32>
    %broadcast_in_dim3A = vector.shape_cast %reduce_sum3A_12 : vector<2304xf32> to vector<2304x1xf32>
    %dot_general3A = arith.constant dense<0.000000e+00> : vector<2304x1024xf32>
    %dot_general3A_13 = tpu.matmul %get3A_1, %get3A_6, %dot_general3A {dimension_numbers = #tpu.dot_dimension_numbers<[1], [1], [0], [0], [0, 0, 1, 0], [], []>, transpose_lhs_hint = false} : vector<2304x64xf32>, vector<1024x64xf32>, vector<2304x1024xf32> -> vector<2304x1024xf32>
    %add3A = vector.broadcast %broadcast_in_dim3A : vector<2304x1xf32> to vector<2304x1024xf32>
    %add3A_14 = vector.broadcast %get3A_11 : vector<1x1024xf32> to vector<2304x1024xf32>
    %add3A_15 = arith.addf %add3A, %add3A_14 : vector<2304x1024xf32>
    %sub3A = arith.subf %add3A_15, %dot_general3A_13 : vector<2304x1024xf32>
    %reduce_min3A = arith.constant dense<0x7F800000> : vector<2304xf32>
    %reduce_min3A_16 = vector.multi_reduction <minimumf>, %sub3A, %reduce_min3A [1] : vector<2304x1024xf32> to vector<2304xf32>
    %broadcast_in_dim3A_17 = vector.shape_cast %reduce_min3A_16 : vector<2304xf32> to vector<2304x1xf32>
    %iota3A = tpu.iota {dimensions = array<i32: 1>} : vector<2304x1024xi32>
    %convert_element_type3A = arith.sitofp %iota3A : vector<2304x1024xi32> to vector<2304x1024xf32>
    %eq3A = vector.broadcast %broadcast_in_dim3A_17 : vector<2304x1xf32> to vector<2304x1024xf32>
    %eq3A_18 = arith.cmpf oeq, %sub3A, %eq3A : vector<2304x1024xf32>
    %jit3A = arith.constant 1.024000e+03 : f32
    %broadcast_in_dim3A_19 = vector.broadcast %jit3A : f32 to vector<2304x1024xf32>
    %select_n3A = arith.select %eq3A_18, %convert_element_type3A, %broadcast_in_dim3A_19 : vector<2304x1024xi1>, vector<2304x1024xf32>
    %reduce_min3A_20 = arith.constant dense<0x7F800000> : vector<2304xf32>
    %reduce_min3A_21 = vector.multi_reduction <minimumf>, %select_n3A, %reduce_min3A_20 [1] : vector<2304x1024xf32> to vector<2304xf32>
    %broadcast_in_dim3A_22 = vector.shape_cast %reduce_min3A_21 : vector<2304xf32> to vector<2304x1xf32>
    %convert_element_type3A_23 = arith.fptosi %broadcast_in_dim3A_22 : vector<2304x1xf32> to vector<2304x1xi32>
    %add3A_24 = arith.constant 0 : i32
    %add3A_25 = vector.broadcast %add3A_24 : i32 to vector<2304x1xi32>
    %add3A_26 = arith.addi %convert_element_type3A_23, %add3A_25 : vector<2304x1xi32>
    %reduce_sum3A_27 = vector.shape_cast %broadcast_in_dim3A_17 : vector<2304x1xf32> to vector<1x2304x1xf32>
    %reduce_sum3A_28 = arith.constant dense<0.000000e+00> : vector<1xf32>
    %reduce_sum3A_29 = vector.multi_reduction <add>, %reduce_sum3A_27, %reduce_sum3A_28 [1, 2] : vector<1x2304x1xf32> to vector<1xf32>
    %reduce_sum3A_30 = vector.shape_cast %reduce_sum3A_29 : vector<1xf32> to vector<1x1x1xf32>
    %reduce_sum3A_31 = vector.extract %reduce_sum3A_30[0, 0, 0] : f32 from vector<1x1x1xf32>
    %add3A_32 = arith.constant 0.000000e+00 : f32
    %add3A_33 = arith.addf %add3A_32, %reduce_sum3A_31 : f32
    %get3A_34 = arith.constant 0 : index
    %get3A_35 = arith.constant 64 : index
    %get3A_36 = vector.load %arg1[%get3A_34, %get3A_35] : memref<2304x256xf32, #tpu.memory_space<vmem>>, vector<2304x64xf32>
    %get3A_37 = arith.constant 1 : index
    %get3A_38 = arith.constant 0 : index
    %get3A_39 = arith.constant 0 : index
    %get3A_40 = vector.load %arg2[%get3A_37, %get3A_38, %get3A_39] : memref<4x1024x64xf32, #tpu.memory_space<vmem>>, vector<1x1024x64xf32>
    %get3A_41 = vector.shape_cast %get3A_40 : vector<1x1024x64xf32> to vector<1024x64xf32>
    %get3A_42 = arith.constant 1 : index
    %get3A_43 = arith.constant 0 : index
    %get3A_44 = arith.constant 0 : index
    %get3A_45 = vector.load %arg3[%get3A_42, %get3A_43, %get3A_44] : memref<4x1x1024xf32, #tpu.memory_space<vmem>>, vector<1x1x1024xf32>
    %get3A_46 = vector.shape_cast %get3A_45 : vector<1x1x1024xf32> to vector<1x1024xf32>
    %mul3A_47 = arith.mulf %get3A_36, %get3A_36 : vector<2304x64xf32>
    %reduce_sum3A_48 = arith.constant dense<0.000000e+00> : vector<2304xf32>
    %reduce_sum3A_49 = vector.multi_reduction <add>, %mul3A_47, %reduce_sum3A_48 [1] : vector<2304x64xf32> to vector<2304xf32>
    %broadcast_in_dim3A_50 = vector.shape_cast %reduce_sum3A_49 : vector<2304xf32> to vector<2304x1xf32>
    %dot_general3A_51 = arith.constant dense<0.000000e+00> : vector<2304x1024xf32>
    %dot_general3A_52 = tpu.matmul %get3A_36, %get3A_41, %dot_general3A_51 {dimension_numbers = #tpu.dot_dimension_numbers<[1], [1], [0], [0], [0, 0, 1, 0], [], []>, transpose_lhs_hint = false} : vector<2304x64xf32>, vector<1024x64xf32>, vector<2304x1024xf32> -> vector<2304x1024xf32>
    %add3A_53 = vector.broadcast %broadcast_in_dim3A_50 : vector<2304x1xf32> to vector<2304x1024xf32>
    %add3A_54 = vector.broadcast %get3A_46 : vector<1x1024xf32> to vector<2304x1024xf32>
    %add3A_55 = arith.addf %add3A_53, %add3A_54 : vector<2304x1024xf32>
    %sub3A_56 = arith.subf %add3A_55, %dot_general3A_52 : vector<2304x1024xf32>
    %reduce_min3A_57 = arith.constant dense<0x7F800000> : vector<2304xf32>
    %reduce_min3A_58 = vector.multi_reduction <minimumf>, %sub3A_56, %reduce_min3A_57 [1] : vector<2304x1024xf32> to vector<2304xf32>
    %broadcast_in_dim3A_59 = vector.shape_cast %reduce_min3A_58 : vector<2304xf32> to vector<2304x1xf32>
    %iota3A_60 = tpu.iota {dimensions = array<i32: 1>} : vector<2304x1024xi32>
    %convert_element_type3A_61 = arith.sitofp %iota3A_60 : vector<2304x1024xi32> to vector<2304x1024xf32>
    %eq3A_62 = vector.broadcast %broadcast_in_dim3A_59 : vector<2304x1xf32> to vector<2304x1024xf32>
    %eq3A_63 = arith.cmpf oeq, %sub3A_56, %eq3A_62 : vector<2304x1024xf32>
    %jit3A_64 = arith.constant 1.024000e+03 : f32
    %broadcast_in_dim3A_65 = vector.broadcast %jit3A_64 : f32 to vector<2304x1024xf32>
    %select_n3A_66 = arith.select %eq3A_63, %convert_element_type3A_61, %broadcast_in_dim3A_65 : vector<2304x1024xi1>, vector<2304x1024xf32>
    %reduce_min3A_67 = arith.constant dense<0x7F800000> : vector<2304xf32>
    %reduce_min3A_68 = vector.multi_reduction <minimumf>, %select_n3A_66, %reduce_min3A_67 [1] : vector<2304x1024xf32> to vector<2304xf32>
    %broadcast_in_dim3A_69 = vector.shape_cast %reduce_min3A_68 : vector<2304xf32> to vector<2304x1xf32>
    %convert_element_type3A_70 = arith.fptosi %broadcast_in_dim3A_69 : vector<2304x1xf32> to vector<2304x1xi32>
    %add3A_71 = arith.constant 1024 : i32
    %add3A_72 = vector.broadcast %add3A_71 : i32 to vector<2304x1xi32>
    %add3A_73 = arith.addi %convert_element_type3A_70, %add3A_72 : vector<2304x1xi32>
    %reduce_sum3A_74 = vector.shape_cast %broadcast_in_dim3A_59 : vector<2304x1xf32> to vector<1x2304x1xf32>
    %reduce_sum3A_75 = arith.constant dense<0.000000e+00> : vector<1xf32>
    %reduce_sum3A_76 = vector.multi_reduction <add>, %reduce_sum3A_74, %reduce_sum3A_75 [1, 2] : vector<1x2304x1xf32> to vector<1xf32>
    %reduce_sum3A_77 = vector.shape_cast %reduce_sum3A_76 : vector<1xf32> to vector<1x1x1xf32>
    %reduce_sum3A_78 = vector.extract %reduce_sum3A_77[0, 0, 0] : f32 from vector<1x1x1xf32>
    %add3A_79 = arith.addf %add3A_33, %reduce_sum3A_78 : f32
    %get3A_80 = arith.constant 0 : index
    %get3A_81 = arith.constant 128 : index
    %get3A_82 = vector.load %arg1[%get3A_80, %get3A_81] : memref<2304x256xf32, #tpu.memory_space<vmem>>, vector<2304x64xf32>
    %get3A_83 = arith.constant 2 : index
    %get3A_84 = arith.constant 0 : index
    %get3A_85 = arith.constant 0 : index
    %get3A_86 = vector.load %arg2[%get3A_83, %get3A_84, %get3A_85] : memref<4x1024x64xf32, #tpu.memory_space<vmem>>, vector<1x1024x64xf32>
    %get3A_87 = vector.shape_cast %get3A_86 : vector<1x1024x64xf32> to vector<1024x64xf32>
    %get3A_88 = arith.constant 2 : index
    %get3A_89 = arith.constant 0 : index
    %get3A_90 = arith.constant 0 : index
    %get3A_91 = vector.load %arg3[%get3A_88, %get3A_89, %get3A_90] : memref<4x1x1024xf32, #tpu.memory_space<vmem>>, vector<1x1x1024xf32>
    %get3A_92 = vector.shape_cast %get3A_91 : vector<1x1x1024xf32> to vector<1x1024xf32>
    %mul3A_93 = arith.mulf %get3A_82, %get3A_82 : vector<2304x64xf32>
    %reduce_sum3A_94 = arith.constant dense<0.000000e+00> : vector<2304xf32>
    %reduce_sum3A_95 = vector.multi_reduction <add>, %mul3A_93, %reduce_sum3A_94 [1] : vector<2304x64xf32> to vector<2304xf32>
    %broadcast_in_dim3A_96 = vector.shape_cast %reduce_sum3A_95 : vector<2304xf32> to vector<2304x1xf32>
    %dot_general3A_97 = arith.constant dense<0.000000e+00> : vector<2304x1024xf32>
    %dot_general3A_98 = tpu.matmul %get3A_82, %get3A_87, %dot_general3A_97 {dimension_numbers = #tpu.dot_dimension_numbers<[1], [1], [0], [0], [0, 0, 1, 0], [], []>, transpose_lhs_hint = false} : vector<2304x64xf32>, vector<1024x64xf32>, vector<2304x1024xf32> -> vector<2304x1024xf32>
    %add3A_99 = vector.broadcast %broadcast_in_dim3A_96 : vector<2304x1xf32> to vector<2304x1024xf32>
    %add3A_100 = vector.broadcast %get3A_92 : vector<1x1024xf32> to vector<2304x1024xf32>
    %add3A_101 = arith.addf %add3A_99, %add3A_100 : vector<2304x1024xf32>
    %sub3A_102 = arith.subf %add3A_101, %dot_general3A_98 : vector<2304x1024xf32>
    %reduce_min3A_103 = arith.constant dense<0x7F800000> : vector<2304xf32>
    %reduce_min3A_104 = vector.multi_reduction <minimumf>, %sub3A_102, %reduce_min3A_103 [1] : vector<2304x1024xf32> to vector<2304xf32>
    %broadcast_in_dim3A_105 = vector.shape_cast %reduce_min3A_104 : vector<2304xf32> to vector<2304x1xf32>
    %iota3A_106 = tpu.iota {dimensions = array<i32: 1>} : vector<2304x1024xi32>
    %convert_element_type3A_107 = arith.sitofp %iota3A_106 : vector<2304x1024xi32> to vector<2304x1024xf32>
    %eq3A_108 = vector.broadcast %broadcast_in_dim3A_105 : vector<2304x1xf32> to vector<2304x1024xf32>
    %eq3A_109 = arith.cmpf oeq, %sub3A_102, %eq3A_108 : vector<2304x1024xf32>
    %jit3A_110 = arith.constant 1.024000e+03 : f32
    %broadcast_in_dim3A_111 = vector.broadcast %jit3A_110 : f32 to vector<2304x1024xf32>
    %select_n3A_112 = arith.select %eq3A_109, %convert_element_type3A_107, %broadcast_in_dim3A_111 : vector<2304x1024xi1>, vector<2304x1024xf32>
    %reduce_min3A_113 = arith.constant dense<0x7F800000> : vector<2304xf32>
    %reduce_min3A_114 = vector.multi_reduction <minimumf>, %select_n3A_112, %reduce_min3A_113 [1] : vector<2304x1024xf32> to vector<2304xf32>
    %broadcast_in_dim3A_115 = vector.shape_cast %reduce_min3A_114 : vector<2304xf32> to vector<2304x1xf32>
    %convert_element_type3A_116 = arith.fptosi %broadcast_in_dim3A_115 : vector<2304x1xf32> to vector<2304x1xi32>
    %add3A_117 = arith.constant 2048 : i32
    %add3A_118 = vector.broadcast %add3A_117 : i32 to vector<2304x1xi32>
    %add3A_119 = arith.addi %convert_element_type3A_116, %add3A_118 : vector<2304x1xi32>
    %reduce_sum3A_120 = vector.shape_cast %broadcast_in_dim3A_105 : vector<2304x1xf32> to vector<1x2304x1xf32>
    %reduce_sum3A_121 = arith.constant dense<0.000000e+00> : vector<1xf32>
    %reduce_sum3A_122 = vector.multi_reduction <add>, %reduce_sum3A_120, %reduce_sum3A_121 [1, 2] : vector<1x2304x1xf32> to vector<1xf32>
    %reduce_sum3A_123 = vector.shape_cast %reduce_sum3A_122 : vector<1xf32> to vector<1x1x1xf32>
    %reduce_sum3A_124 = vector.extract %reduce_sum3A_123[0, 0, 0] : f32 from vector<1x1x1xf32>
    %add3A_125 = arith.addf %add3A_79, %reduce_sum3A_124 : f32
    %get3A_126 = arith.constant 0 : index
    %get3A_127 = arith.constant 192 : index
    %get3A_128 = vector.load %arg1[%get3A_126, %get3A_127] : memref<2304x256xf32, #tpu.memory_space<vmem>>, vector<2304x64xf32>
    %get3A_129 = arith.constant 3 : index
    %get3A_130 = arith.constant 0 : index
    %get3A_131 = arith.constant 0 : index
    %get3A_132 = vector.load %arg2[%get3A_129, %get3A_130, %get3A_131] : memref<4x1024x64xf32, #tpu.memory_space<vmem>>, vector<1x1024x64xf32>
    %get3A_133 = vector.shape_cast %get3A_132 : vector<1x1024x64xf32> to vector<1024x64xf32>
    %get3A_134 = arith.constant 3 : index
    %get3A_135 = arith.constant 0 : index
    %get3A_136 = arith.constant 0 : index
    %get3A_137 = vector.load %arg3[%get3A_134, %get3A_135, %get3A_136] : memref<4x1x1024xf32, #tpu.memory_space<vmem>>, vector<1x1x1024xf32>
    %get3A_138 = vector.shape_cast %get3A_137 : vector<1x1x1024xf32> to vector<1x1024xf32>
    %mul3A_139 = arith.mulf %get3A_128, %get3A_128 : vector<2304x64xf32>
    %reduce_sum3A_140 = arith.constant dense<0.000000e+00> : vector<2304xf32>
    %reduce_sum3A_141 = vector.multi_reduction <add>, %mul3A_139, %reduce_sum3A_140 [1] : vector<2304x64xf32> to vector<2304xf32>
    %broadcast_in_dim3A_142 = vector.shape_cast %reduce_sum3A_141 : vector<2304xf32> to vector<2304x1xf32>
    %dot_general3A_143 = arith.constant dense<0.000000e+00> : vector<2304x1024xf32>
    %dot_general3A_144 = tpu.matmul %get3A_128, %get3A_133, %dot_general3A_143 {dimension_numbers = #tpu.dot_dimension_numbers<[1], [1], [0], [0], [0, 0, 1, 0], [], []>, transpose_lhs_hint = false} : vector<2304x64xf32>, vector<1024x64xf32>, vector<2304x1024xf32> -> vector<2304x1024xf32>
    %add3A_145 = vector.broadcast %broadcast_in_dim3A_142 : vector<2304x1xf32> to vector<2304x1024xf32>
    %add3A_146 = vector.broadcast %get3A_138 : vector<1x1024xf32> to vector<2304x1024xf32>
    %add3A_147 = arith.addf %add3A_145, %add3A_146 : vector<2304x1024xf32>
    %sub3A_148 = arith.subf %add3A_147, %dot_general3A_144 : vector<2304x1024xf32>
    %reduce_min3A_149 = arith.constant dense<0x7F800000> : vector<2304xf32>
    %reduce_min3A_150 = vector.multi_reduction <minimumf>, %sub3A_148, %reduce_min3A_149 [1] : vector<2304x1024xf32> to vector<2304xf32>
    %broadcast_in_dim3A_151 = vector.shape_cast %reduce_min3A_150 : vector<2304xf32> to vector<2304x1xf32>
    %iota3A_152 = tpu.iota {dimensions = array<i32: 1>} : vector<2304x1024xi32>
    %convert_element_type3A_153 = arith.sitofp %iota3A_152 : vector<2304x1024xi32> to vector<2304x1024xf32>
    %eq3A_154 = vector.broadcast %broadcast_in_dim3A_151 : vector<2304x1xf32> to vector<2304x1024xf32>
    %eq3A_155 = arith.cmpf oeq, %sub3A_148, %eq3A_154 : vector<2304x1024xf32>
    %jit3A_156 = arith.constant 1.024000e+03 : f32
    %broadcast_in_dim3A_157 = vector.broadcast %jit3A_156 : f32 to vector<2304x1024xf32>
    %select_n3A_158 = arith.select %eq3A_155, %convert_element_type3A_153, %broadcast_in_dim3A_157 : vector<2304x1024xi1>, vector<2304x1024xf32>
    %reduce_min3A_159 = arith.constant dense<0x7F800000> : vector<2304xf32>
    %reduce_min3A_160 = vector.multi_reduction <minimumf>, %select_n3A_158, %reduce_min3A_159 [1] : vector<2304x1024xf32> to vector<2304xf32>
    %broadcast_in_dim3A_161 = vector.shape_cast %reduce_min3A_160 : vector<2304xf32> to vector<2304x1xf32>
    %convert_element_type3A_162 = arith.fptosi %broadcast_in_dim3A_161 : vector<2304x1xf32> to vector<2304x1xi32>
    %add3A_163 = arith.constant 3072 : i32
    %add3A_164 = vector.broadcast %add3A_163 : i32 to vector<2304x1xi32>
    %add3A_165 = arith.addi %convert_element_type3A_162, %add3A_164 : vector<2304x1xi32>
    %reduce_sum3A_166 = vector.shape_cast %broadcast_in_dim3A_151 : vector<2304x1xf32> to vector<1x2304x1xf32>
    %reduce_sum3A_167 = arith.constant dense<0.000000e+00> : vector<1xf32>
    %reduce_sum3A_168 = vector.multi_reduction <add>, %reduce_sum3A_166, %reduce_sum3A_167 [1, 2] : vector<1x2304x1xf32> to vector<1xf32>
    %reduce_sum3A_169 = vector.shape_cast %reduce_sum3A_168 : vector<1xf32> to vector<1x1x1xf32>
    %reduce_sum3A_170 = vector.extract %reduce_sum3A_169[0, 0, 0] : f32 from vector<1x1x1xf32>
    %add3A_171 = arith.addf %add3A_125, %reduce_sum3A_170 : f32
    %concatenate3A = tpu.concatenate %add3A_26, %add3A_73, %add3A_119, %add3A_165 in 1 : vector<2304x1xi32>, vector<2304x1xi32>, vector<2304x1xi32>, vector<2304x1xi32> -> vector<2304x4xi32>
    %swap3A = arith.constant 0 : index
    %swap3A_172 = arith.constant 0 : index
    %swap3A_173 = vector.load %arg4[%swap3A, %swap3A_172] : memref<2304x4xi32, #tpu.memory_space<vmem>>, vector<2304x4xi32>
    tpu.vector_store %arg4[%swap3A, %swap3A_172], %concatenate3A {strides = array<i32>} : memref<2304x4xi32, #tpu.memory_space<vmem>>, vector<2304x4xi32>,
    %mul3A_174 = arith.constant 2.11927636E-6 : f32
    %mul3A_175 = arith.mulf %add3A_171, %mul3A_174 : f32
    %broadcast_in_dim3A_176 = vector.broadcast %mul3A_175 : f32 to vector<1x1xf32>
    %eq3A_177 = arith.constant 0 : i32
    %eq3A_178 = arith.cmpi eq, %arg0, %eq3A_177 : i32
    %convert_element_type3A_179 = arith.extui %eq3A_178 : i1 to i32
    %cond3A = arith.constant 0 : i32
    %cond3A_180 = arith.cmpi ne, %convert_element_type3A_179, %cond3A : i32
    scf.if %cond3A_180 {
      %swap3A_185 = arith.constant 0 : index
      %swap3A_186 = arith.constant 0 : index
      %swap3A_187 = vector.load %arg5[%swap3A_185, %swap3A_186] : memref<1x1xf32, #tpu.memory_space<vmem>>, vector<1x1xf32>
      tpu.vector_store %arg5[%swap3A_185, %swap3A_186], %broadcast_in_dim3A_176 {strides = array<i32>} : memref<1x1xf32, #tpu.memory_space<vmem>>, vector<1x1xf32>,
    } else {
    }
    %gt3A = arith.constant 0 : i32
    %gt3A_181 = arith.cmpi sgt, %arg0, %gt3A : i32
    %convert_element_type3A_182 = arith.extui %gt3A_181 : i1 to i32
    %cond3A_183 = arith.constant 0 : i32
    %cond3A_184 = arith.cmpi ne, %convert_element_type3A_182, %cond3A_183 : i32
    scf.if %cond3A_184 {
      %get3A_185 = arith.constant 0 : index
      %get3A_186 = arith.constant 0 : index
      %get3A_187 = vector.load %arg5[%get3A_185, %get3A_186] : memref<1x1xf32, #tpu.memory_space<vmem>>, vector<1x1xf32>
      %add3A_188 = arith.addf %get3A_187, %broadcast_in_dim3A_176 : vector<1x1xf32>
      %swap3A_189 = arith.constant 0 : index
      %swap3A_190 = arith.constant 0 : index
      %swap3A_191 = vector.load %arg5[%swap3A_189, %swap3A_190] : memref<1x1xf32, #tpu.memory_space<vmem>>, vector<1x1xf32>
      tpu.vector_store %arg5[%swap3A_189, %swap3A_190], %add3A_188 {strides = array<i32>} : memref<1x1xf32, #tpu.memory_space<vmem>>, vector<1x1xf32>,
    } else {
    }
    return
  }
  func.func @transform_0(%arg0: i32) -> (i32, i32) {
    %c0_i32 = arith.constant 0 : i32
    %c0_i32_0 = arith.constant 0 : i32
    return %arg0, %c0_i32 : i32, i32
  }
  func.func @transform_1(%arg0: i32) -> (i32, i32, i32) {
    %c0_i32 = arith.constant 0 : i32
    %c0_i32_0 = arith.constant 0 : i32
    %c0_i32_1 = arith.constant 0 : i32
    %c0_i32_2 = arith.constant 0 : i32
    return %c0_i32, %c0_i32_0, %c0_i32_1 : i32, i32, i32
  }
  func.func @transform_2(%arg0: i32) -> (i32, i32, i32) {
    %c0_i32 = arith.constant 0 : i32
    %c0_i32_0 = arith.constant 0 : i32
    %c0_i32_1 = arith.constant 0 : i32
    %c0_i32_2 = arith.constant 0 : i32
    return %c0_i32, %c0_i32_0, %c0_i32_1 : i32, i32, i32
  }
  func.func @transform_3(%arg0: i32) -> (i32, i32) {
    %c0_i32 = arith.constant 0 : i32
    %c0_i32_0 = arith.constant 0 : i32
    return %arg0, %c0_i32 : i32, i32
  }
  func.func @transform_4(%arg0: i32) -> (i32, i32) {
    %c0_i32 = arith.constant 0 : i32
    %c0_i32_0 = arith.constant 0 : i32
    %c0_i32_1 = arith.constant 0 : i32
    return %c0_i32, %c0_i32_0 : i32, i32
  }
}

</mosaic_0001>

<sc_bundles>
// kernel: kernel.4.cloned.1.call-start
scs
__scs_entry_jumppad:
0x0: {  	(pc) =	sbr.rel $0x88, $3  }
0x1: {  	(tag) =	ssettag $0x0;
	lr =	simm.s32 $0x1  }
0x2: {  	[smem:$0x3F9F] =	sst lr;
	_ =	strace $0xD0000000  }
0x3: {  	_ = 	snop  }
0x4: {  	_ = 	snop  }
0x5: {  	_ = 	snop  }
0x6: {  	_ = 	snop  }
0x7: {  	_ = 	snop  }
__scs_overlays_trampoline_lowered:
0x8: {  	[smem:$0x3FAE] =	sst s0  }
0x9: {  	[smem:$0x3FAF] =	sst s1  }
0xa: {  	[smem:$0x3FB0] =	sst s2  }
0xb: {  	[smem:$0x3FB1] =	sst s3  }
0xc: {  	[smem:$0x3FB2] =	sst s4  }
0xd: {  	[smem:$0x3FB3] =	sst s5  }
0xe: {  	[smem:$0x3FB4] =	sst s6  }
0xf: {  	[smem:$0x3FB5] =	sst s7  }
0x10: {  	[smem:$0x3FB6] =	sst s8  }
0x11: {  	[smem:$0x3FB7] =	sst s9;
	s0 =	simm.s32 @!p0 $0x0  }
0x12: {  	s1 =	sld [smem:$0x3F9D];
	s0 =	simm.s32 @p0 $0x1  }
0x13: {  	[smem:$0x3FB8] =	sst s0;
	s0 =	simm.s32 @!p1 $0x0  }
0x14: {  	s2 =	sld [smem:$0x3F9C];
	s0 =	simm.s32 @p1 $0x1  }
0x15: {  	[smem:$0x3FB9] =	sst s0;
	s0 =	simm.s32 @!p2 $0x0  }
0x16: {  	s3 =	sld [smem:$0x3FDB];
	s0 =	simm.s32 @p2 $0x1  }
0x17: {  	s4 =	simm.s32 $0x1BF5;
	[smem:$0x3FBB] =	sst s0  }
0x18: {  	s0 =	sld [smem:$0x3F9E];
	_ =	swait.ge [sflag:s4], $0x0  }
0x19: {  	s7 =	sld [smem:$0x3F9F]  }
0x1a: {  	s8 =	sadd.s32 $0xFFFFE003, lr  }
0x1b: {  	s9 =	sadd.s32 $0xFFFFFEF7, lr;
	s5 =	simm.s32 $0xFFFFFFFF;
	p2 =	slt.u32 s8, $0xFFFFF086  }
0x1c: {  	p1 =	slt.u32 s9, $0xF7A;
	s5 =	simm.s32 @!p2 $0x0  }
0x1d: {  	s5 =	simm.s32 @p1 $0x1;
	p0 =	seq.s32 s7, s2  }
0x1e: {  	s7 =	smul.u32 @!p0 $0xF7A, s2;
	p2 =	seq.s32 @!p0 s5, $0x0  }
0x1f: {  	s9 =	smul.u32 $0xF7A, s1;
	s8 =	simm.s32 @!p0 $0x1BF5;
	p2 =	por !p2, p0  }
0x20: {  	[sflag:s8] =	ssyncset.s32 @!p0 $0xFFFFF086;
	s6 =	sadd.s32 @!p0 s3, s7;
	s7 =	simm.s32 @!p0 $0x108  }
0x21: {  	s3 =	sadd.s32 s3, s9;
	s6 =	sadd.s32 @!p0 $0x88, s6;
	s7 =	simm.s32 @p2 $0x1082  }
0x22: {  	[simem:s7], [sflag:s8] =	dma.local @!p0 [hbm:s6], $0xF7A  }
0x23: {  	s9 =	sor.u32 $0xD0000000, s2;
	s6 =	simm.s32 $0x108;
	_ =	swait.ge @!p0 [sflag:s8], $0x0  }
0x24: {  	s3 =	sadd.s32 $0x88, s3;
	s6 =	simm.s32 @!p1 $0x1082;
	[sflag:s4] =	ssyncset.s32 $0xFFFFF086  }
0x25: {  	[simem:s6], [sflag:s4] =	dma.local [hbm:s3], $0xF7A  }
0x26: {  	[smem:$0x3F9F] =	sst s1;
	(tag) =	ssettag s2;
	_ =	strace s9  }
0x27: {  	s1 =	sld [smem:$0x3FAF]  }
0x28: {  	s2 =	sld [smem:$0x3FB0]  }
0x29: {  	s4 =	sld [smem:$0x3FB2]  }
0x2a: {  	p0 =	seq.s32 s5, $0x0;
	s5 =	sld [smem:$0x3FB3]  }
0x2b: {  	s6 =	sld [smem:$0x3FB4]  }
0x2c: {  	s7 =	sld [smem:$0x3FB5]  }
0x2d: {  	s3 =	simm.s32 $0x108;
	s8 =	sld [smem:$0x3FB6]  }
0x2e: {  	s3 =	simm.s32 @!p0 $0x1082;
	s9 =	sld [smem:$0x3FB7]  }
0x2f: {  	lr =	sadd.s32 s0, s3;
	s0 =	sld [smem:$0x3FAE]  }
0x30: {  	s3 =	sld [smem:$0x3FB1]  }
0x31: {  	[smem:$0x3FBA] =	sst s10  }
0x32: {  	s10 =	sld [smem:$0x3FB8];
	_ =	sdelay $0x3  }
0x33: {  	p0 =	seq.s32 s10, $0x1;
	s10 =	sld [smem:$0x3FBA];
	_ =	sdelay $0x3  }
0x34: {  	[smem:$0x3FBA] =	sst s10  }
0x35: {  	s10 =	sld [smem:$0x3FB9];
	_ =	sdelay $0x3  }
0x36: {  	p1 =	seq.s32 s10, $0x1;
	s10 =	sld [smem:$0x3FBA];
	_ =	sdelay $0x3  }
0x37: {  	[smem:$0x3FBA] =	sst s10  }
0x38: {  	s10 =	sld [smem:$0x3FBB]  }
0x39: {  	_ = 	snop;
	(pc) =	sbr.ind lr, $3  }
0x3a: {  	_ = 	snop  }
0x3b: {  	_ = 	snop  }
0x3c: {  	p2 =	seq.s32 s10, $0x1;
	s10 =	sld [smem:$0x3FBA]  }
0x3d: {  	_ =	shalt  }
0x3e: {  	_ =	shalt  }
0x3f: {  	_ =	shalt  }
0x40: {  	_ =	shalt  }
0x41: {  	_ =	shalt  }
0x42: {  	_ =	shalt  }
0x43: {  	_ =	shalt  }
0x44: {  	_ =	shalt  }
0x45: {  	_ =	shalt  }
0x46: {  	_ =	shalt  }
0x47: {  	_ =	shalt  }
0x48: {  	_ =	shalt  }
0x49: {  	_ =	shalt  }
0x4a: {  	_ =	shalt  }
0x4b: {  	_ =	shalt  }
0x4c: {  	_ =	shalt  }
0x4d: {  	_ =	shalt  }
0x4e: {  	_ =	shalt  }
0x4f: {  	_ =	shalt  }
0x50: {  	_ =	shalt  }
0x51: {  	_ =	shalt  }
0x52: {  	_ =	shalt  }
0x53: {  	_ =	shalt  }
0x54: {  	_ =	shalt  }
0x55: {  	_ =	shalt  }
0x56: {  	_ =	shalt  }
0x57: {  	_ =	shalt  }
0x58: {  	_ =	shalt  }
0x59: {  	_ =	shalt  }
0x5a: {  	_ =	shalt  }
0x5b: {  	_ =	shalt  }
0x5c: {  	_ =	shalt  }
0x5d: {  	_ =	shalt  }
0x5e: {  	_ =	shalt  }
0x5f: {  	_ =	shalt  }
0x60: {  	_ =	shalt  }
0x61: {  	_ =	shalt  }
0x62: {  	_ =	shalt  }
0x63: {  	_ =	shalt  }
0x64: {  	_ =	shalt  }
0x65: {  	_ =	shalt  }
0x66: {  	_ =	shalt  }
0x67: {  	_ =	shalt  }
0x68: {  	_ =	shalt  }
0x69: {  	_ =	shalt  }
0x6a: {  	_ =	shalt  }
0x6b: {  	_ =	shalt  }
0x6c: {  	_ =	shalt  }
0x6d: {  	_ =	shalt  }
0x6e: {  	_ =	shalt  }
0x6f: {  	_ =	shalt  }
0x70: {  	_ =	shalt  }
0x71: {  	_ =	shalt  }
0x72: {  	_ =	shalt  }
0x73: {  	_ =	shalt  }
0x74: {  	_ =	shalt  }
0x75: {  	_ =	shalt  }
0x76: {  	_ =	shalt  }
0x77: {  	_ =	shalt  }
0x78: {  	_ =	shalt  }
0x79: {  	_ =	shalt  }
0x7a: {  	_ =	shalt  }
0x7b: {  	_ =	shalt  }
0x7c: {  	_ =	shalt  }
0x7d: {  	_ =	shalt  }
0x7e: {  	_ =	shalt  }
0x7f: {  	_ =	shalt  }
0x80: {  	_ =	shalt  }
0x81: {  	_ =	shalt  }
0x82: {  	_ =	shalt  }
0x83: {  	_ =	shalt  }
0x84: {  	_ =	shalt  }
0x85: {  	_ =	shalt  }
0x86: {  	_ =	shalt  }
0x87: {  	_ =	shalt  }
.Lfunc_end0:
.L_simem_size_0:
called_computation_lowered:
.L_overlay_start_0:
0x88: {  	s2 =	sld [smem:$0x3FD9]  }
0x89: {  	s3 =	sld [smem:$0x3FFE];
	_ =	sdelay $0x1  }
0x8a: {  	s1 =	srdreg.scid  }
0x8b: {  	s0 =	sand.u32 $0x1, s1  }
0x8c: {  	s14 =	sshll.u32 s0, $0xA;
	s2 =	sadd.s32 s3, s2  }
0x8d: {  	s2 =	sadd.s32 s2, s14  }
0x8e: {  	[smem:$0x3FC6] =	sst s2  }
0x8f: {  	_ = 	snop  }
0x90: {  	s2 =	sld [smem:$0x3FD0];
	_ =	sdelay $0x2  }
0x91: {  	s15 =	simm.s32 $0xA;
	s4 =	simm.s32 $0x10  }
0x92: {  	[smem:s4], [sflag:s15] =	dma.local [hbm:s2], $0x1  }
0x93: {  	_ =	swait.eq [sflag:s15], $0x1  }
0x94: {  	[sflag:s15] =	ssyncset.done $0x0  }
0x95: {  	[sflag:s15] =	ssyncadd.s32 $0xFFFFFFFF  }
0x96: {  	s16 =	sld [smem:$0x10];
	(tm) =	ssettm $0x1  }
0x97: {  	s17 =	sld [smem:$0x3FFB];
	_ =	sdelay $0x3  }
0x98: {  	_ =	strace s17  }
0x99: {  	s3 =	sld [smem:$0x3FFC];
	_ =	sdelay $0x3  }
0x9a: {  	_ =	strace s3  }
0x9b: {  	s3 =	sld [smem:$0x3FFD];
	_ =	sdelay $0x3  }
0x9c: {  	_ =	strace s3  }
0x9d: {  	_ =	strace $0x8FFFFFFF  }
0x9e: {  	s18 =	sld [smem:$0x3FDB];
	_ =	sdelay $0x1  }
0x9f: {  	s19 =	simm.s32 $_scs_section_size  }
0xa0: {  	s5 =	simm.s32 $_size__tile_overlayer_lowered;
	s6 =	simm.s32 $_tile_overlayer_lowered  }
0xa1: {  	s22 =	simm.s32 $0x1BFF;
	s21 =	sshll.u32 s6, $0x1;
	s3 =	sadd.s32 s19, s18  }
0xa2: {  	s7 =	simm.s32 $0x0;
	s20 =	sshll.u32 s5, $0x1;
	s5 =	sadd.s32 s21, s3  }
0xa3: {  	[timem:s7], [sflag:s22] =	dma.local [hbm:s5], s20  }
0xa4: {  	_ =	swait.ge [sflag:s22], s20  }
0xa5: {  	s4 =	ssub.s32 $0x0, s20;
	[sflag:s22] =	ssyncset.done $0x0  }
0xa6: {  	[sflag:s22] =	ssyncadd.s32 s4;
	_ =	sdelay $0x1  }
0xa7: {  	s23 =	simm.s32 $0x1B8B  }
0xa8: {  	_ =	swait.ge [sflag:s23], $0x1  }
0xa9: {  	[sflag:s23] =	ssyncset.done $0x0  }
0xaa: {  	s25 =	simm.s32 $0x1B8E;
	s24 =	sld [smem:$0x3FFE];
	[sflag:s23] =	ssyncadd.s32 $0xFFFFFFFF  }
0xab: {  	s26 =	simm.s32 $execute0_lowered;
	[smem:$0x3FD2] =	sst s25  }
0xac: {  	s5 =	sshll.u32 s26, $0x1;
	_ =	strace $0x80000046;
	[dreg:$0x1] =	wrdreg $0xFFFFFFFF  }
0xad: {  	s28 =	simm.s32 $_size_execute0_lowered;
	s3 =	sadd.s32 s3, s5;
	[dreg:$0x0] =	wrdreg $0x0  }
0xae: {  	s5 =	sshll.u32 s28, $0x1;
	[dreg:$0x2] =	wrdreg s3  }
0xaf: {  	[dreg:$0x3] =	wrdreg s5  }
0xb0: {  	[dreg:$0x4] =	wrdreg $0xC0  }
0xb1: {  	_ =	task [dreg:s7], $0x5FFFF  }
0xb2: {  	[dreg:$0x1] =	wrdreg $0xFFFFFFFF  }
0xb3: {  	[dreg:$0x0] =	wrdreg $0x60  }
0xb4: {  	[dreg:$0x2] =	wrdreg s16  }
0xb5: {  	[dreg:$0x3] =	wrdreg s24  }
0xb6: {  	[dreg:$0x4] =	wrdreg $0x9  }
0xb7: {  	_ =	task.clear_ibuf [dreg:s7], $0x5FFFF;
	_ =	strace $0x90000046  }
0xb8: {  	s29 =	simm.s32 $0x9;
	_ =	strace $0x80000048  }
0xb9: {  	_ =	swait.ge [sflag:s29], $0x1  }
0xba: {  	[sflag:s29] =	ssyncadd.s32 $0xFFFFFFFF  }
0xbb: {  	_ =	strace $0x90000048  }
0xbc: {  	_ =	sfence  }
0xbd: {  	s30 =	sld [smem:$0x0];
	_ =	sdelay $0x2  }
0xbe: {  	s31 =	sshll.u32 s1, $0xD;
	s1 =	sshrl.u32 s1, $0x2  }
0xbf: {  	s3 =	sand.u32 $0x4000, s31;
	s1 =	sadd.s32 s1, s30  }
0xc0: {  	s0 =	sor.u32 s3, s0;
	s1 =	sshll.u32 s1, $0x11  }
0xc1: {  	s0 =	sor.u32 s1, s0  }
0xc2: {  	s0 =	sadd.s32 $0x8F2B, s0  }
0xc3: {  	[sflag:s0] =	ssyncadd.remote.s32 $0x1  }
0xc4: {  	_ =	sfence.sel $0xFFFF  }
0xc5: {  	[dreg:$0x0] =	wrdreg $0xFFFFFFFF;
	(pc) =	sbr.abs _section_cstart, $3  }
0xc6: {  	[dreg:$0x1] =	wrdreg $0xFFFFFFFF  }
0xc7: {  	_ =	task.clear_ibuf [dreg:s7], $0x2FFFF;
	_ =	strace $0x9FFFFFFF  }
0xc8: {  	(tm) =	ssettm $0x7FFFFFFF  }
0xc9: {  	_ =	shalt  }
tec
execute0_lowered:
.L_overlay_start_1:
0x0: {  	(tag) =	ssettag $0x1  }
0x1: {  	s1 =	srdreg.scid;
	s0 =	stileid.u32  }
0x2: {  	s2 =	rddreg [dreg:$0x0];
	s6 =	sand.u32 $0x1, s1;
	s30 =	sshll.u32 s0, $0x1  }
0x3: {  	s8 =	rddreg [dreg:$0x1];
	s7 =	sor.u32 s6, s30  }
0x4: {  	s3 =	simm.s32 $0x0;
	s1 =	rddreg [dreg:$0x2];
	s4 =	smul.u32 $0x90, s7  }
0x5: {  	[smem:$0x7FF] =	sst s3  }
0x6: {  	_ =	strace $0x80000047;
	s10 =	ssub.s32 $0x2, s6;
	s4 =	sadd.s32 s4, s8  }
0x7: {  	s6 =	simm.s32 $0x480;
	s5 =	sadd.s32 $0x600, s4;
	s4 =	simm.s32 $0x2  }
0x8: {  	[tilespmem:s3], [sflag:$0x2] =	stream.linear.gather [hbm4b:s5+s3], $0x480, $0x38;
	[tilespmem:$0x12480] =	vst v63  }
0x9: {  	s9 =	smul.u32 $0x2400, s7;
	s11 =	sshrl.u32 s10, $0x1;
	_ =	swait.ge [sflag:s4], $0x480  }
0xa: {  	s7 =	simm.s32 $0x1;
	s31 =	ssub.s32 s10, s11;
	[sflag:s4] =	ssyncset.done $0x0  }
0xb: {  	s8 =	sadd.s32 s9, s8;
	s9 =	smax.u32 s31, $0x1;
	[sflag:s4] =	ssyncadd.s32 $0xFFFFFB80  }
0xc: {  	[tilespmem:s6], [sflag:$0x1] =	stream.indirect.gather [hbm4b:s2+s6], $0x40, s3, s6, $0xb8;
	[tilespmem:$0x12480] =	vst v63  }
0xd: {  	p0 =	sne.s32 s9, $0x1;
	_ =	swait.ge [sflag:s7], $0x12000  }
.Ltmp0:
0xe: {  	[sflag:s7] =	ssyncset.done $0x0;
	(pc) =	sbr.rel @!p0 .LBB2_2-.Ltmp0, $4  }
0xf: {  	s8 =	sadd.s32 $0x1800, s8;
	[sflag:s7] =	ssyncadd.s32 $0xFFFEE000  }
0x10: {  	[hbm4b:s8+s3] =	stream.linear.scatter [tilespmem:s6], [sflag:$0x2], $0x12000, $0x38;
	[tilespmem:$0x12480] =	vst v63  }
0x11: {  	_ =	swait.ge [sflag:s4], $0x12000  }
0x12: {  	s9 =	sadd.s32 $0xFFFFFFFF, s9;
	[sflag:s4] =	ssyncset.done $0x0  }
.LBB2_1:
0x13: {  	p0 =	sne.s32 s9, $0x1;
	s9 =	sadd.s32 $0xFFFFFFFF, s9;
	[sflag:s4] =	ssyncadd.s32 $0xFFFEE000  }
0x14: {  	[tilespmem:s3], [sflag:$0x2] =	stream.linear.gather [hbm4b:s5+s3], $0x480, $0x38;
	[tilespmem:$0x12480] =	vst v63  }
0x15: {  	_ =	swait.ge [sflag:s4], $0x480  }
0x16: {  	[sflag:s4] =	ssyncset.done $0x0  }
0x17: {  	[sflag:s4] =	ssyncadd.s32 $0xFFFFFB80  }
0x18: {  	[tilespmem:s6], [sflag:$0x1] =	stream.indirect.gather [hbm4b:s2+s6], $0x40, s3, s6, $0xb8;
	[tilespmem:$0x12480] =	vst v63  }
0x19: {  	_ =	swait.ge [sflag:s7], $0x12000  }
.Ltmp1:
0x1a: {  	[sflag:s7] =	ssyncset.done $0x0;
	(pc) =	sbr.rel @p0 .LBB2_1-.Ltmp1, $4  }
0x1b: {  	[sflag:s7] =	ssyncadd.s32 $0xFFFEE000  }
0x1c: {  	[hbm4b:s8+s3] =	stream.linear.scatter [tilespmem:s6], [sflag:$0x2], $0x12000, $0x38;
	[tilespmem:$0x12480] =	vst v63  }
0x1d: {  	_ =	swait.ge [sflag:s4], $0x12000  }
0x1e: {  	[sflag:s4] =	ssyncset.done $0x0  }
.LBB2_2:
0x1f: {  	[sflag:s4] =	ssyncadd.s32 $0xFFFEE000  }
0x20: {  	_ =	sfence.sel $0x180000  }
0x21: {  	[bflag:$0x0] =	sbarrier.arrive $0xFFFF  }
0x22: {  	p0 =	sne.s32 s0, $0x0;
	_ =	strace $0x90000047  }
0x23: {  	s0 =	sadd.s32 @!p0 $0x100000, s1;
	[bflag:$0x2] =	sbarrier.arrive $0xFFFF  }
0x24: {  	[sflag:s0] =	ssyncadd.tile.s32 @!p0 $0x1;
	_ =	shalt  }
.Lfunc_end2:
_tile_overlayer_lowered:
.L_overlay_start_2:
0x25: {  	(tag) =	ssettag $0x2  }
0x26: {  	s0 =	rddreg [dreg:$0x0];
	s2 =	stileid.u32  }
0x27: {  	s1 =	rddreg [dreg:$0x1];
	p0 =	sne.s32 s2, $0x0  }
0x28: {  	s3 =	rddreg [dreg:$0x2];
	[bflag:$0x3] =	sbarrier.arrive $0xFFFF;
	s2 =	simm.s32 @!p0 $0x1C02  }
0x29: {  	[timem:s3], [sflag:s2] =	dma.local @!p0 [hbm:s0], s1  }
0x2a: {  	s0 =	simm.s32 @!p0 $0x2  }
0x2b: {  	_ =	swait.ge @!p0 [sflag:s0], s1  }
0x2c: {  	s1 =	ssub.s32 @!p0 $0x0, s1;
	[sflag:s0] =	ssyncset.done @!p0 $0x0  }
0x2d: {  	[sflag:s0] =	ssyncadd.s32 @!p0 s1  }
0x2e: {  	[bflag:$0x3] =	sbarrier.arrive $0xFFFF  }
0x2f: {  	_ =	shalt  }

</sc_bundles>
